<compile_context>
chip_gen: v7x
topology: tpu7x:2x2x1
jax: 0.10.2.dev20260603
libtpu: 0.0.44.dev20260713+nightly
codegen_flags: <defaults>
</compile_context>

<pallas_src>
import jax
import jax.numpy as jnp
from jax import lax
from jax.experimental import pallas as pl
from jax.experimental.pallas import tpu as pltpu
from jax.experimental.pallas import tpu_sc as plsc

F32 = jnp.float32
I32 = jnp.int32



def _shared_body(x_ref, Wgs_ref, Wus_ref, Wds_ref, shared_ref):
    xb = x_ref[...]
    g = jax.nn.silu(jnp.dot(xb, Wgs_ref[0], preferred_element_type=F32))
    u = jnp.dot(xb, Wus_ref[0], preferred_element_type=F32)
    shared_ref[...] = jnp.dot(g * u, Wds_ref[0], preferred_element_type=F32)


def _router_body(x_ref, wgt_ref, bias_ref, comb_ref, act_ref):
    xb = x_ref[...]
    logits = lax.dot_general(
        xb, wgt_ref[...], (((1,), (1,)), ((), ())),
        preferred_element_type=F32) + bias_ref[...]
    m = jnp.max(logits, axis=1, keepdims=True)
    p = jnp.exp(logits - m)
    p = p / jnp.sum(p, axis=1, keepdims=True)
    idx = lax.broadcasted_iota(I32, p.shape, 1)
    big = jnp.int32(1 << 30)
    m1 = jnp.max(p, axis=1, keepdims=True)
    i1 = jnp.min(jnp.where(p == m1, idx, big), axis=1, keepdims=True)
    mask1 = idx == i1
    p2 = jnp.where(mask1, -jnp.inf, p)
    m2 = jnp.max(p2, axis=1, keepdims=True)
    i2 = jnp.min(jnp.where(p2 == m2, idx, big), axis=1, keepdims=True)
    mask2 = idx == i2
    comb = (jnp.where(mask1, m1, 0.0) + jnp.where(mask2, m2, 0.0)) / (m1 + m2)
    comb_ref[...] = comb
    counts = jnp.sum(jnp.where(comb > 0, 1.0, 0.0), axis=0, keepdims=True)
    act_ref[...] = (counts > 0).astype(I32)


def _router(x_flat, W_gate, bias2d):
    N, _ = x_flat.shape
    E = W_gate.shape[0]
    return pl.pallas_call(
        _router_body,
        out_shape=(jax.ShapeDtypeStruct((N, E), F32),
                   jax.ShapeDtypeStruct((1, E), I32)),
    )(x_flat, W_gate, bias2d)


def _shared(x_flat, Wg_s, Wu_s, Wd_s):
    N, C = x_flat.shape
    return pl.pallas_call(
        _shared_body,
        out_shape=jax.ShapeDtypeStruct((N, C), F32),
    )(x_flat, Wg_s, Wu_s, Wd_s)



def _make_sched_kernel(E):
    mesh = plsc.VectorSubcoreMesh(core_axis_name="c", subcore_axis_name="s")

    def body(act_hbm, sched_hbm, act_v, sched_v):
        wid = lax.axis_index("s") * 2 + lax.axis_index("c")

        @pl.when(wid == 0)
        def _():
            pltpu.sync_copy(act_hbm, act_v.at[pl.ds(0, E)])

            def step(e, n):
                a = act_v[pl.ds(e, 16)][0]
                idx = jnp.where(a > 0, n, E + 32)
                sched_v[pl.ds(idx, 16)] = jnp.full((16,), e, I32)
                return n + jnp.where(a > 0, 1, 0)

            n = lax.fori_loop(0, E, step, jnp.int32(0))
            sched_v[pl.ds(E, 16)] = jnp.full((16,), n, I32)
            pltpu.sync_copy(sched_v.at[pl.ds(0, E + 16)], sched_hbm)

    return pl.kernel(
        body,
        out_type=jax.ShapeDtypeStruct((E + 16,), I32),
        mesh=mesh,
        scratch_types=[pltpu.VMEM((E + 16,), I32), pltpu.VMEM((E + 48,), I32)],
    )



def _moe_body(s_ref, x_ref, comb_ref, shared_ref, Wg_ref, Wu_ref, Wd_ref,
              out_ref):
    t = pl.program_id(0)
    n = s_ref[s_ref.shape[0] - 16]
    ae = s_ref[jnp.minimum(t, n - 1)]
    xb = x_ref[...]

    @pl.when(t == 0)
    def _init():
        out_ref[...] = shared_ref[...]

    @pl.when(t < n)
    def _routed():
        g = jax.nn.silu(jnp.dot(xb, Wg_ref[0], preferred_element_type=F32))
        u = jnp.dot(xb, Wu_ref[0], preferred_element_type=F32)
        contrib = jnp.dot(g * u, Wd_ref[0], preferred_element_type=F32)
        eids = lax.broadcasted_iota(I32, comb_ref.shape, 1)
        col = jnp.sum(jnp.where(eids == ae, comb_ref[...], 0.0),
                      axis=1, keepdims=True)
        out_ref[...] += col * contrib


def kernel(x, W_gate, expert_bias, Wg, Wu, Wd, Wg_s, Wu_s, Wd_s):
    Bq, Tq, C = x.shape
    N = Bq * Tq
    E, _, FF = Wg.shape
    x_flat = x.reshape(N, C)
    bias2d = expert_bias.reshape(1, E)

    comb, act = _router(x_flat, W_gate, bias2d)
    sched = _make_sched_kernel(E)(act.reshape(E))
    shared = _shared(x_flat, Wg_s, Wu_s, Wd_s)

    def _slot(t, s):
        return s[jnp.minimum(t, s[E] - 1)]

    grid_spec = pltpu.PrefetchScalarGridSpec(
        num_scalar_prefetch=1,
        grid=(E,),
        in_specs=[
            pl.BlockSpec((N, C), lambda t, s: (0, 0)),
            pl.BlockSpec((N, E), lambda t, s: (0, 0)),
            pl.BlockSpec((N, C), lambda t, s: (0, 0)),
            pl.BlockSpec((1, C, FF), lambda t, s: (_slot(t, s), 0, 0)),
            pl.BlockSpec((1, C, FF), lambda t, s: (_slot(t, s), 0, 0)),
            pl.BlockSpec((1, FF, C), lambda t, s: (_slot(t, s), 0, 0)),
        ],
        out_specs=pl.BlockSpec((N, C), lambda t, s: (0, 0)),
    )
    out = pl.pallas_call(
        _moe_body,
        grid_spec=grid_spec,
        out_shape=jax.ShapeDtypeStruct((N, C), F32),
        compiler_params=pltpu.CompilerParams(
            dimension_semantics=("arbitrary",)),
    )(sched, x_flat, comb, shared, Wg, Wu, Wd)
    return out.reshape(Bq, Tq, C)

# --- scband reference (transcript-rebuilt; emitter-appended) ---
"""Pipeline reference for scband-mixture-of-experts-11785390260755 (READ-ONLY COPY).

The authoritative reference and input builder live on the scoring server;
editing this copy changes nothing except your own understanding.
"""

import jax, jax.numpy as jnp
import numpy as np

B, T, C = 64, 1, 1024
FF = 1024
E = 64
TOPK = 2
NSHARED = 1


def setup_inputs(seed: int = 0) -> dict:
    key = jax.random.key(seed)
    ks = jax.random.split(key, 10)
    s = 0.02
    return {
        "x": jax.random.normal(ks[0], (B, T, C), dtype=jnp.float32),
        "W_gate": jax.random.normal(ks[1], (E, C), dtype=jnp.float32) * s,
        "expert_bias": jnp.zeros((E,), dtype=jnp.float32),
        "Wg": jax.random.normal(ks[2], (E, C, FF), dtype=jnp.float32) * s,
        "Wu": jax.random.normal(ks[3], (E, C, FF), dtype=jnp.float32) * s,
        "Wd": jax.random.normal(ks[4], (E, FF, C), dtype=jnp.float32) * s,
        "Wg_s": jax.random.normal(ks[5], (NSHARED, C, FF), dtype=jnp.float32) * s,
        "Wu_s": jax.random.normal(ks[6], (NSHARED, C, FF), dtype=jnp.float32) * s,
        "Wd_s": jax.random.normal(ks[7], (NSHARED, FF, C), dtype=jnp.float32) * s,
    }


def _moe_forward(x, W_gate, expert_bias, Wg, Wu, Wd, Wg_s, Wu_s, Wd_s):
    Bq, Tq, Cq = x.shape
    x_flat = x.reshape(-1, Cq)
    # shared experts (always active), averaged
    shared = jnp.zeros_like(x_flat)
    for i in range(NSHARED):
        g = jax.nn.silu(x_flat @ Wg_s[i])
        u = x_flat @ Wu_s[i]
        shared = shared + (g * u) @ Wd_s[i]
    shared = shared / NSHARED
    # router with loss-less load-balancing bias
    logits = x_flat @ W_gate.T + expert_bias[None, :]
    probs = jax.nn.softmax(logits, axis=-1)
    topv, topi = jax.lax.top_k(probs, TOPK)
    topv = topv / jnp.sum(topv, axis=-1, keepdims=True)
    # per-token dispatch: gather only the selected experts' weights (SwiGLU FFN)
    def token_fn(args):
        xt, idx, pv = args
        out = jnp.zeros((Cq,), dtype=x.dtype)
        for j in range(TOPK):
            wg = Wg[idx[j]]
            wu = Wu[idx[j]]
            wd = Wd[idx[j]]
            g = jax.nn.silu(xt @ wg)
            u = xt @ wu
            out = out + pv[j] * ((g * u) @ wd)
        return out
    routed = jax.lax.map(token_fn, (x_flat, topi, topv))
    return (shared + routed).reshape(Bq, Tq, Cq)


def reference(x, W_gate, expert_bias, Wg, Wu, Wd, Wg_s, Wu_s, Wd_s):
    # eval-mode forward: no expert-usage statistics update; aux_loss is None in torch,
    # so we return only the output tensor.
    return _moe_forward(x, W_gate, expert_bias, Wg, Wu, Wd, Wg_s, Wu_s, Wd_s)

if __name__ == "__main__":
    import jax
    _d = setup_inputs()
    print(jax.jit(kernel)(*tuple(_d.values())))

</pallas_src>

<mosaic_0001>
#map = affine_map<(d0, d1) -> (0)>
module attributes {stable_mosaic.version = 14 : i64} {
  func.func @body(%arg0: i32, %arg1: i32, %arg2: memref<64xi32, #tpu.memory_space<hbm>>, %arg3: memref<80xi32, #tpu.memory_space<hbm>>, %arg4: memref<80xi32, #tpu.memory_space<vmem>>, %arg5: memref<112xi32, #tpu.memory_space<vmem>>) attributes {dimension_semantics = [#tpu.dimension_semantics<core_parallel>, #tpu.dimension_semantics<subcore_parallel>], iteration_bounds = array<i64: 2, 16>, scalar_prefetch = 0 : i64, scratch_operands = 2 : i64, tpu.core_type = #tpu.core_type<sc_vector_subcore>, window_params = [{transform_indices = #map}, {transform_indices = #map}]} {
    %mul3A = arith.constant 2 : i32
    %mul3A_0 = arith.muli %arg1, %mul3A : i32
    %add3A = arith.addi %mul3A_0, %arg0 : i32
    %eq3A = arith.constant 0 : i32
    %eq3A_1 = arith.cmpi eq, %add3A, %eq3A : i32
    %convert_element_type3A = arith.extui %eq3A_1 : i1 to i32
    %cond3A = arith.constant 0 : i32
    %cond3A_2 = arith.cmpi ne, %convert_element_type3A, %cond3A : i32
    scf.if %cond3A_2 {
      "tpu.region"() ({
        %run_scoped3A = tpu.sem_alloc : memref<!tpu.dma_semaphore, #tpu.memory_space<semaphore_mem>>
        %dma_start3A = arith.constant 0 : i32
        %dma_start3A_12 = tpu.memref_slice %arg4[%dma_start3A] : memref<80xi32, #tpu.memory_space<vmem>> -> memref<64xi32, #tpu.memory_space<vmem>>
        %dma_start3A_13 = arith.constant 0 : i32
        %dma_start3A_14 = tpu.memref_slice %arg4[%dma_start3A_13] : memref<80xi32, #tpu.memory_space<vmem>> -> memref<64xi32, #tpu.memory_space<vmem>>
        tpu.enqueue_dma source(%arg2 : memref<64xi32, #tpu.memory_space<hbm>>) target(%dma_start3A_14 : memref<64xi32, #tpu.memory_space<vmem>>) target_semaphore(%run_scoped3A : memref<!tpu.dma_semaphore, #tpu.memory_space<semaphore_mem>>)
        %dma_wait3A = arith.constant 0 : i32
        %dma_wait3A_15 = tpu.memref_slice %arg4[%dma_wait3A] : memref<80xi32, #tpu.memory_space<vmem>> -> memref<64xi32, #tpu.memory_space<vmem>>
        %dma_wait3A_16 = arith.constant 0 : i32
        %dma_wait3A_17 = tpu.memref_slice %arg4[%dma_wait3A_16] : memref<80xi32, #tpu.memory_space<vmem>> -> memref<64xi32, #tpu.memory_space<vmem>>
        tpu.wait_dma2 semaphore(%run_scoped3A : memref<!tpu.dma_semaphore, #tpu.memory_space<semaphore_mem>>) src(%arg2 : memref<64xi32, #tpu.memory_space<hbm>>) dst(%dma_wait3A_17 : memref<64xi32, #tpu.memory_space<vmem>>)
        tpu.yield
      }) : () -> ()
      %scan3A = arith.constant 0 : i32
      %scan3A_3 = arith.constant 0 : i32
      %scan3A_4 = arith.constant 64 : i32
      %scan3A_5 = arith.addi %scan3A_3, %scan3A_4 : i32
      %scan3A_6 = arith.constant 1 : i32
      %scan3A_7 = scf.for %scan3A_12 = %scan3A_3 to %scan3A_5 step %scan3A_6 iter_args(%scan3A_13 = %scan3A) -> (i32)  : i32 {
        %get3A = arith.index_cast %scan3A_12 : i32 to index
        %get3A_14 = tpu.vector_load %arg4[%get3A] {strides = array<i32>} : memref<80xi32, #tpu.memory_space<vmem>>, vector<16xi32>,
        %get3A_15 = vector.shape_cast %get3A_14 : vector<16xi32> to vector<16xi32>
        %slice3A = vector.extract_strided_slice %get3A_15 {offsets = [0], sizes = [1], strides = [1]} : vector<16xi32> to vector<1xi32>
        %squeeze3A = vector.extract %slice3A[0] : i32 from vector<1xi32>
        %gt3A = arith.constant 0 : i32
        %gt3A_16 = arith.cmpi sgt, %squeeze3A, %gt3A : i32
        %jit3A = arith.constant 96 : i32
        %select_n3A = arith.select %gt3A_16, %scan3A_13, %jit3A : i32
        %broadcast_in_dim3A_17 = vector.broadcast %scan3A_12 : i32 to vector<16xi32>
        %swap3A_18 = arith.index_cast %select_n3A : i32 to index
        %swap3A_19 = tpu.vector_load %arg5[%swap3A_18] {strides = array<i32>} : memref<112xi32, #tpu.memory_space<vmem>>, vector<16xi32>,
        %swap3A_20 = vector.shape_cast %swap3A_19 : vector<16xi32> to vector<16xi32>
        %swap3A_21 = vector.shape_cast %broadcast_in_dim3A_17 : vector<16xi32> to vector<16xi32>
        tpu.vector_store %arg5[%swap3A_18], %swap3A_21 {strides = array<i32>} : memref<112xi32, #tpu.memory_space<vmem>>, vector<16xi32>,
        %gt3A_22 = arith.constant 0 : i32
        %gt3A_23 = arith.cmpi sgt, %squeeze3A, %gt3A_22 : i32
        %jit3A_24 = arith.constant 1 : i32
        %jit3A_25 = arith.constant 0 : i32
        %select_n3A_26 = arith.select %gt3A_23, %jit3A_24, %jit3A_25 : i32
        %add3A_27 = arith.addi %scan3A_13, %select_n3A_26 : i32
        scf.yield %add3A_27 : i32
      }
      %scan3A_8 = arith.constant 64 : i32
      %broadcast_in_dim3A = vector.broadcast %scan3A_7 : i32 to vector<16xi32>
      %swap3A = arith.constant 64 : index
      %swap3A_9 = tpu.vector_load %arg5[%swap3A] {strides = array<i32>} : memref<112xi32, #tpu.memory_space<vmem>>, vector<16xi32>,
      %swap3A_10 = vector.shape_cast %swap3A_9 : vector<16xi32> to vector<16xi32>
      %swap3A_11 = vector.shape_cast %broadcast_in_dim3A : vector<16xi32> to vector<16xi32>
      tpu.vector_store %arg5[%swap3A], %swap3A_11 {strides = array<i32>} : memref<112xi32, #tpu.memory_space<vmem>>, vector<16xi32>,
      "tpu.region"() ({
        %run_scoped3A = tpu.sem_alloc : memref<!tpu.dma_semaphore, #tpu.memory_space<semaphore_mem>>
        %dma_start3A = arith.constant 0 : i32
        %dma_start3A_12 = tpu.memref_slice %arg5[%dma_start3A] : memref<112xi32, #tpu.memory_space<vmem>> -> memref<80xi32, #tpu.memory_space<vmem>>
        %dma_start3A_13 = arith.constant 0 : i32
        %dma_start3A_14 = tpu.memref_slice %arg5[%dma_start3A_13] : memref<112xi32, #tpu.memory_space<vmem>> -> memref<80xi32, #tpu.memory_space<vmem>>
        tpu.enqueue_dma source(%dma_start3A_14 : memref<80xi32, #tpu.memory_space<vmem>>) target(%arg3 : memref<80xi32, #tpu.memory_space<hbm>>) target_semaphore(%run_scoped3A : memref<!tpu.dma_semaphore, #tpu.memory_space<semaphore_mem>>)
        %dma_wait3A = arith.constant 0 : i32
        %dma_wait3A_15 = tpu.memref_slice %arg5[%dma_wait3A] : memref<112xi32, #tpu.memory_space<vmem>> -> memref<80xi32, #tpu.memory_space<vmem>>
        %dma_wait3A_16 = arith.constant 0 : i32
        %dma_wait3A_17 = tpu.memref_slice %arg5[%dma_wait3A_16] : memref<112xi32, #tpu.memory_space<vmem>> -> memref<80xi32, #tpu.memory_space<vmem>>
        tpu.wait_dma2 semaphore(%run_scoped3A : memref<!tpu.dma_semaphore, #tpu.memory_space<semaphore_mem>>) src(%dma_wait3A_17 : memref<80xi32, #tpu.memory_space<vmem>>) dst(%arg3 : memref<80xi32, #tpu.memory_space<hbm>>)
        tpu.yield
      }) : () -> ()
    } else {
    }
    return
  }
}

module attributes {stable_mosaic.version = 14 : i64} {
  func.func @_shared_body(%arg0: memref<64x1024xf32, #tpu.memory_space<vmem>>, %arg1: memref<1x1024x1024xf32, #tpu.memory_space<vmem>>, %arg2: memref<1x1024x1024xf32, #tpu.memory_space<vmem>>, %arg3: memref<1x1024x1024xf32, #tpu.memory_space<vmem>>, %arg4: memref<64x1024xf32, #tpu.memory_space<vmem>>) attributes {dimension_semantics = [], scalar_prefetch = 0 : i64, scratch_operands = 0 : i64, tpu.core_type = #tpu.core_type<tc>} {
    %get3A = arith.constant 0 : index
    %get3A_0 = arith.constant 0 : index
    %get3A_1 = vector.load %arg0[%get3A, %get3A_0] : memref<64x1024xf32, #tpu.memory_space<vmem>>, vector<64x1024xf32>
    %get3A_2 = arith.constant 0 : index
    %get3A_3 = arith.constant 0 : index
    %get3A_4 = arith.constant 0 : index
    %get3A_5 = vector.load %arg1[%get3A_2, %get3A_3, %get3A_4] : memref<1x1024x1024xf32, #tpu.memory_space<vmem>>, vector<1x1024x1024xf32>
    %get3A_6 = vector.shape_cast %get3A_5 : vector<1x1024x1024xf32> to vector<1024x1024xf32>
    %dot_general3A = arith.constant dense<0.000000e+00> : vector<64x1024xf32>
    %dot_general3A_7 = tpu.matmul %get3A_1, %get3A_6, %dot_general3A {dimension_numbers = #tpu.dot_dimension_numbers<[1], [0], [0], [1], [0, 0, 1, 1], [], []>, transpose_lhs_hint = false} : vector<64x1024xf32>, vector<1024x1024xf32>, vector<64x1024xf32> -> vector<64x1024xf32>
    %logistic3A = arith.negf %dot_general3A_7 : vector<64x1024xf32>
    %logistic3A_8 = math.exp %logistic3A : vector<64x1024xf32>
    %logistic3A_9 = arith.constant 1.000000e+00 : f32
    %logistic3A_10 = vector.broadcast %logistic3A_9 : f32 to vector<64x1024xf32>
    %logistic3A_11 = arith.addf %logistic3A_10, %logistic3A_8 : vector<64x1024xf32>
    %logistic3A_12 = arith.divf %logistic3A_10, %logistic3A_11 : vector<64x1024xf32>
    %mul3A = arith.mulf %dot_general3A_7, %logistic3A_12 : vector<64x1024xf32>
    %get3A_13 = arith.constant 0 : index
    %get3A_14 = arith.constant 0 : index
    %get3A_15 = arith.constant 0 : index
    %get3A_16 = vector.load %arg2[%get3A_13, %get3A_14, %get3A_15] : memref<1x1024x1024xf32, #tpu.memory_space<vmem>>, vector<1x1024x1024xf32>
    %get3A_17 = vector.shape_cast %get3A_16 : vector<1x1024x1024xf32> to vector<1024x1024xf32>
    %dot_general3A_18 = arith.constant dense<0.000000e+00> : vector<64x1024xf32>
    %dot_general3A_19 = tpu.matmul %get3A_1, %get3A_17, %dot_general3A_18 {dimension_numbers = #tpu.dot_dimension_numbers<[1], [0], [0], [1], [0, 0, 1, 1], [], []>, transpose_lhs_hint = false} : vector<64x1024xf32>, vector<1024x1024xf32>, vector<64x1024xf32> -> vector<64x1024xf32>
    %mul3A_20 = arith.mulf %mul3A, %dot_general3A_19 : vector<64x1024xf32>
    %get3A_21 = arith.constant 0 : index
    %get3A_22 = arith.constant 0 : index
    %get3A_23 = arith.constant 0 : index
    %get3A_24 = vector.load %arg3[%get3A_21, %get3A_22, %get3A_23] : memref<1x1024x1024xf32, #tpu.memory_space<vmem>>, vector<1x1024x1024xf32>
    %get3A_25 = vector.shape_cast %get3A_24 : vector<1x1024x1024xf32> to vector<1024x1024xf32>
    %dot_general3A_26 = arith.constant dense<0.000000e+00> : vector<64x1024xf32>
    %dot_general3A_27 = tpu.matmul %mul3A_20, %get3A_25, %dot_general3A_26 {dimension_numbers = #tpu.dot_dimension_numbers<[1], [0], [0], [1], [0, 0, 1, 1], [], []>, transpose_lhs_hint = false} : vector<64x1024xf32>, vector<1024x1024xf32>, vector<64x1024xf32> -> vector<64x1024xf32>
    %swap3A = arith.constant 0 : index
    %swap3A_28 = arith.constant 0 : index
    %swap3A_29 = vector.load %arg4[%swap3A, %swap3A_28] : memref<64x1024xf32, #tpu.memory_space<vmem>>, vector<64x1024xf32>
    tpu.vector_store %arg4[%swap3A, %swap3A_28], %dot_general3A_27 {strides = array<i32>} : memref<64x1024xf32, #tpu.memory_space<vmem>>, vector<64x1024xf32>,
    return
  }
}

module attributes {stable_mosaic.version = 14 : i64} {
  func.func @_moe_body(%arg0: i32, %arg1: memref<80xi32, #tpu.memory_space<smem>>, %arg2: memref<64x1024xf32, #tpu.memory_space<vmem>>, %arg3: memref<64x64xf32, #tpu.memory_space<vmem>>, %arg4: memref<64x1024xf32, #tpu.memory_space<vmem>>, %arg5: memref<1x1024x1024xf32, #tpu.memory_space<vmem>>, %arg6: memref<1x1024x1024xf32, #tpu.memory_space<vmem>>, %arg7: memref<1x1024x1024xf32, #tpu.memory_space<vmem>>, %arg8: memref<64x1024xf32, #tpu.memory_space<vmem>>) attributes {dimension_semantics = [#tpu.dimension_semantics<arbitrary>], iteration_bounds = array<i64: 64>, scalar_prefetch = 1 : i64, scratch_operands = 0 : i64, tpu.core_type = #tpu.core_type<tc>, window_params = [{pipeline_mode = #tpu.pipeline_mode<synchronous>, transform_indices = @transform_0, window_bounds = array<i64: 64, 1024>}, {pipeline_mode = #tpu.pipeline_mode<synchronous>, transform_indices = @transform_1, window_bounds = array<i64: 64, 64>}, {pipeline_mode = #tpu.pipeline_mode<synchronous>, transform_indices = @transform_2, window_bounds = array<i64: 64, 1024>}, {transform_indices = @transform_3, window_bounds = array<i64: 1, 1024, 1024>}, {transform_indices = @transform_4, window_bounds = array<i64: 1, 1024, 1024>}, {transform_indices = @transform_5, window_bounds = array<i64: 1, 1024, 1024>}, {pipeline_mode = #tpu.pipeline_mode<synchronous>, transform_indices = @transform_6, window_bounds = array<i64: 64, 1024>}]} {
    %get3A = arith.constant 64 : index
    %get3A_0 = memref.load %arg1[%get3A] : memref<80xi32, #tpu.memory_space<smem>>
    %sub3A = arith.constant 1 : i32
    %sub3A_1 = arith.subi %get3A_0, %sub3A : i32
    %min3A = arith.minsi %arg0, %sub3A_1 : i32
    %get3A_2 = arith.index_cast %min3A : i32 to index
    %get3A_3 = memref.load %arg1[%get3A_2] : memref<80xi32, #tpu.memory_space<smem>>
    %get3A_4 = arith.constant 0 : index
    %get3A_5 = arith.constant 0 : index
    %get3A_6 = vector.load %arg2[%get3A_4, %get3A_5] : memref<64x1024xf32, #tpu.memory_space<vmem>>, vector<64x1024xf32>
    %eq3A = arith.constant 0 : i32
    %eq3A_7 = arith.cmpi eq, %arg0, %eq3A : i32
    %convert_element_type3A = arith.extui %eq3A_7 : i1 to i32
    %cond3A = arith.constant 0 : i32
    %cond3A_8 = arith.cmpi ne, %convert_element_type3A, %cond3A : i32
    scf.if %cond3A_8 {
      %get3A_12 = arith.constant 0 : index
      %get3A_13 = arith.constant 0 : index
      %get3A_14 = vector.load %arg4[%get3A_12, %get3A_13] : memref<64x1024xf32, #tpu.memory_space<vmem>>, vector<64x1024xf32>
      %swap3A = arith.constant 0 : index
      %swap3A_15 = arith.constant 0 : index
      %swap3A_16 = vector.load %arg8[%swap3A, %swap3A_15] : memref<64x1024xf32, #tpu.memory_space<vmem>>, vector<64x1024xf32>
      tpu.vector_store %arg8[%swap3A, %swap3A_15], %get3A_14 {strides = array<i32>} : memref<64x1024xf32, #tpu.memory_space<vmem>>, vector<64x1024xf32>,
    } else {
    }
    %lt3A = arith.cmpi slt, %arg0, %get3A_0 : i32
    %convert_element_type3A_9 = arith.extui %lt3A : i1 to i32
    %cond3A_10 = arith.constant 0 : i32
    %cond3A_11 = arith.cmpi ne, %convert_element_type3A_9, %cond3A_10 : i32
    scf.if %cond3A_11 {
      %get3A_12 = arith.constant 0 : index
      %get3A_13 = arith.constant 0 : index
      %get3A_14 = arith.constant 0 : index
      %get3A_15 = vector.load %arg5[%get3A_12, %get3A_13, %get3A_14] : memref<1x1024x1024xf32, #tpu.memory_space<vmem>>, vector<1x1024x1024xf32>
      %get3A_16 = vector.shape_cast %get3A_15 : vector<1x1024x1024xf32> to vector<1024x1024xf32>
      %dot_general3A = arith.constant dense<0.000000e+00> : vector<64x1024xf32>
      %dot_general3A_17 = tpu.matmul %get3A_6, %get3A_16, %dot_general3A {dimension_numbers = #tpu.dot_dimension_numbers<[1], [0], [0], [1], [0, 0, 1, 1], [], []>, transpose_lhs_hint = false} : vector<64x1024xf32>, vector<1024x1024xf32>, vector<64x1024xf32> -> vector<64x1024xf32>
      %logistic3A = arith.negf %dot_general3A_17 : vector<64x1024xf32>
      %logistic3A_18 = math.exp %logistic3A : vector<64x1024xf32>
      %logistic3A_19 = arith.constant 1.000000e+00 : f32
      %logistic3A_20 = vector.broadcast %logistic3A_19 : f32 to vector<64x1024xf32>
      %logistic3A_21 = arith.addf %logistic3A_20, %logistic3A_18 : vector<64x1024xf32>
      %logistic3A_22 = arith.divf %logistic3A_20, %logistic3A_21 : vector<64x1024xf32>
      %mul3A = arith.mulf %dot_general3A_17, %logistic3A_22 : vector<64x1024xf32>
      %get3A_23 = arith.constant 0 : index
      %get3A_24 = arith.constant 0 : index
      %get3A_25 = arith.constant 0 : index
      %get3A_26 = vector.load %arg6[%get3A_23, %get3A_24, %get3A_25] : memref<1x1024x1024xf32, #tpu.memory_space<vmem>>, vector<1x1024x1024xf32>
      %get3A_27 = vector.shape_cast %get3A_26 : vector<1x1024x1024xf32> to vector<1024x1024xf32>
      %dot_general3A_28 = arith.constant dense<0.000000e+00> : vector<64x1024xf32>
      %dot_general3A_29 = tpu.matmul %get3A_6, %get3A_27, %dot_general3A_28 {dimension_numbers = #tpu.dot_dimension_numbers<[1], [0], [0], [1], [0, 0, 1, 1], [], []>, transpose_lhs_hint = false} : vector<64x1024xf32>, vector<1024x1024xf32>, vector<64x1024xf32> -> vector<64x1024xf32>
      %mul3A_30 = arith.mulf %mul3A, %dot_general3A_29 : vector<64x1024xf32>
      %get3A_31 = arith.constant 0 : index
      %get3A_32 = arith.constant 0 : index
      %get3A_33 = arith.constant 0 : index
      %get3A_34 = vector.load %arg7[%get3A_31, %get3A_32, %get3A_33] : memref<1x1024x1024xf32, #tpu.memory_space<vmem>>, vector<1x1024x1024xf32>
      %get3A_35 = vector.shape_cast %get3A_34 : vector<1x1024x1024xf32> to vector<1024x1024xf32>
      %dot_general3A_36 = arith.constant dense<0.000000e+00> : vector<64x1024xf32>
      %dot_general3A_37 = tpu.matmul %mul3A_30, %get3A_35, %dot_general3A_36 {dimension_numbers = #tpu.dot_dimension_numbers<[1], [0], [0], [1], [0, 0, 1, 1], [], []>, transpose_lhs_hint = false} : vector<64x1024xf32>, vector<1024x1024xf32>, vector<64x1024xf32> -> vector<64x1024xf32>
      %iota3A = tpu.iota {dimensions = array<i32: 1>} : vector<64x64xi32>
      %eq3A_38 = vector.broadcast %get3A_3 : i32 to vector<64x64xi32>
      %eq3A_39 = arith.cmpi eq, %iota3A, %eq3A_38 : vector<64x64xi32>
      %get3A_40 = arith.constant 0 : index
      %get3A_41 = arith.constant 0 : index
      %get3A_42 = vector.load %arg3[%get3A_40, %get3A_41] : memref<64x64xf32, #tpu.memory_space<vmem>>, vector<64x64xf32>
      %jit3A = arith.constant 0.000000e+00 : f32
      %broadcast_in_dim3A = vector.broadcast %jit3A : f32 to vector<64x64xf32>
      %select_n3A = arith.select %eq3A_39, %get3A_42, %broadcast_in_dim3A : vector<64x64xi1>, vector<64x64xf32>
      %reduce_sum3A = arith.constant dense<0.000000e+00> : vector<64xf32>
      %reduce_sum3A_43 = vector.multi_reduction <add>, %select_n3A, %reduce_sum3A [1] : vector<64x64xf32> to vector<64xf32>
      %broadcast_in_dim3A_44 = vector.shape_cast %reduce_sum3A_43 : vector<64xf32> to vector<64x1xf32>
      %get3A_45 = arith.constant 0 : index
      %get3A_46 = arith.constant 0 : index
      %get3A_47 = vector.load %arg8[%get3A_45, %get3A_46] : memref<64x1024xf32, #tpu.memory_space<vmem>>, vector<64x1024xf32>
      %mul3A_48 = vector.broadcast %broadcast_in_dim3A_44 : vector<64x1xf32> to vector<64x1024xf32>
      %mul3A_49 = arith.mulf %mul3A_48, %dot_general3A_37 : vector<64x1024xf32>
      %add3A = arith.addf %get3A_47, %mul3A_49 : vector<64x1024xf32>
      %swap3A = arith.constant 0 : index
      %swap3A_50 = arith.constant 0 : index
      %swap3A_51 = vector.load %arg8[%swap3A, %swap3A_50] : memref<64x1024xf32, #tpu.memory_space<vmem>>, vector<64x1024xf32>
      tpu.vector_store %arg8[%swap3A, %swap3A_50], %add3A {strides = array<i32>} : memref<64x1024xf32, #tpu.memory_space<vmem>>, vector<64x1024xf32>,
    } else {
    }
    return
  }
  func.func @transform_0(%arg0: i32, %arg1: memref<80xi32, #tpu.memory_space<smem>>) -> (i32, i32) {
    %c0_i32 = arith.constant 0 : i32
    %c0_i32_0 = arith.constant 0 : i32
    %c0_i32_1 = arith.constant 0 : i32
    return %c0_i32, %c0_i32_0 : i32, i32
  }
  func.func @transform_1(%arg0: i32, %arg1: memref<80xi32, #tpu.memory_space<smem>>) -> (i32, i32) {
    %c0_i32 = arith.constant 0 : i32
    %c0_i32_0 = arith.constant 0 : i32
    %c0_i32_1 = arith.constant 0 : i32
    return %c0_i32, %c0_i32_0 : i32, i32
  }
  func.func @transform_2(%arg0: i32, %arg1: memref<80xi32, #tpu.memory_space<smem>>) -> (i32, i32) {
    %c0_i32 = arith.constant 0 : i32
    %c0_i32_0 = arith.constant 0 : i32
    %c0_i32_1 = arith.constant 0 : i32
    return %c0_i32, %c0_i32_0 : i32, i32
  }
  func.func @transform_3(%arg0: i32, %arg1: memref<80xi32, #tpu.memory_space<smem>>) -> (i32, i32, i32) {
    %get3A = arith.constant 64 : index
    %get3A_0 = memref.load %arg1[%get3A] : memref<80xi32, #tpu.memory_space<smem>>
    %sub3A = arith.constant 1 : i32
    %sub3A_1 = arith.subi %get3A_0, %sub3A : i32
    %min3A = arith.minsi %arg0, %sub3A_1 : i32
    %get3A_2 = arith.index_cast %min3A : i32 to index
    %get3A_3 = memref.load %arg1[%get3A_2] : memref<80xi32, #tpu.memory_space<smem>>
    %c0_i32 = arith.constant 0 : i32
    %c0_i32_4 = arith.constant 0 : i32
    %c0_i32_5 = arith.constant 0 : i32
    return %get3A_3, %c0_i32, %c0_i32_4 : i32, i32, i32
  }
  func.func @transform_4(%arg0: i32, %arg1: memref<80xi32, #tpu.memory_space<smem>>) -> (i32, i32, i32) {
    %get3A = arith.constant 64 : index
    %get3A_0 = memref.load %arg1[%get3A] : memref<80xi32, #tpu.memory_space<smem>>
    %sub3A = arith.constant 1 : i32
    %sub3A_1 = arith.subi %get3A_0, %sub3A : i32
    %min3A = arith.minsi %arg0, %sub3A_1 : i32
    %get3A_2 = arith.index_cast %min3A : i32 to index
    %get3A_3 = memref.load %arg1[%get3A_2] : memref<80xi32, #tpu.memory_space<smem>>
    %c0_i32 = arith.constant 0 : i32
    %c0_i32_4 = arith.constant 0 : i32
    %c0_i32_5 = arith.constant 0 : i32
    return %get3A_3, %c0_i32, %c0_i32_4 : i32, i32, i32
  }
  func.func @transform_5(%arg0: i32, %arg1: memref<80xi32, #tpu.memory_space<smem>>) -> (i32, i32, i32) {
    %get3A = arith.constant 64 : index
    %get3A_0 = memref.load %arg1[%get3A] : memref<80xi32, #tpu.memory_space<smem>>
    %sub3A = arith.constant 1 : i32
    %sub3A_1 = arith.subi %get3A_0, %sub3A : i32
    %min3A = arith.minsi %arg0, %sub3A_1 : i32
    %get3A_2 = arith.index_cast %min3A : i32 to index
    %get3A_3 = memref.load %arg1[%get3A_2] : memref<80xi32, #tpu.memory_space<smem>>
    %c0_i32 = arith.constant 0 : i32
    %c0_i32_4 = arith.constant 0 : i32
    %c0_i32_5 = arith.constant 0 : i32
    return %get3A_3, %c0_i32, %c0_i32_4 : i32, i32, i32
  }
  func.func @transform_6(%arg0: i32, %arg1: memref<80xi32, #tpu.memory_space<smem>>) -> (i32, i32) {
    %c0_i32 = arith.constant 0 : i32
    %c0_i32_0 = arith.constant 0 : i32
    %c0_i32_1 = arith.constant 0 : i32
    return %c0_i32, %c0_i32_0 : i32, i32
  }
}

module attributes {stable_mosaic.version = 14 : i64} {
  func.func @_router_body(%arg0: memref<64x1024xf32, #tpu.memory_space<vmem>>, %arg1: memref<64x1024xf32, #tpu.memory_space<vmem>>, %arg2: memref<1x64xf32, #tpu.memory_space<vmem>>, %arg3: memref<64x64xf32, #tpu.memory_space<vmem>>, %arg4: memref<1x64xi32, #tpu.memory_space<vmem>>) attributes {dimension_semantics = [], scalar_prefetch = 0 : i64, scratch_operands = 0 : i64, tpu.core_type = #tpu.core_type<tc>} {
    %get3A = arith.constant 0 : index
    %get3A_0 = arith.constant 0 : index
    %get3A_1 = vector.load %arg0[%get3A, %get3A_0] : memref<64x1024xf32, #tpu.memory_space<vmem>>, vector<64x1024xf32>
    %get3A_2 = arith.constant 0 : index
    %get3A_3 = arith.constant 0 : index
    %get3A_4 = vector.load %arg1[%get3A_2, %get3A_3] : memref<64x1024xf32, #tpu.memory_space<vmem>>, vector<64x1024xf32>
    %dot_general3A = arith.constant dense<0.000000e+00> : vector<64x64xf32>
    %dot_general3A_5 = tpu.matmul %get3A_1, %get3A_4, %dot_general3A {dimension_numbers = #tpu.dot_dimension_numbers<[1], [1], [0], [0], [0, 0, 1, 0], [], []>, transpose_lhs_hint = false} : vector<64x1024xf32>, vector<64x1024xf32>, vector<64x64xf32> -> vector<64x64xf32>
    %get3A_6 = arith.constant 0 : index
    %get3A_7 = arith.constant 0 : index
    %get3A_8 = vector.load %arg2[%get3A_6, %get3A_7] : memref<1x64xf32, #tpu.memory_space<vmem>>, vector<1x64xf32>
    %add3A = vector.broadcast %get3A_8 : vector<1x64xf32> to vector<64x64xf32>
    %add3A_9 = arith.addf %dot_general3A_5, %add3A : vector<64x64xf32>
    %reduce_max3A = arith.constant dense<0xFF800000> : vector<64xf32>
    %reduce_max3A_10 = vector.multi_reduction <maximumf>, %add3A_9, %reduce_max3A [1] : vector<64x64xf32> to vector<64xf32>
    %broadcast_in_dim3A = vector.shape_cast %reduce_max3A_10 : vector<64xf32> to vector<64x1xf32>
    %sub3A = vector.broadcast %broadcast_in_dim3A : vector<64x1xf32> to vector<64x64xf32>
    %sub3A_11 = arith.subf %add3A_9, %sub3A : vector<64x64xf32>
    %exp3A = math.exp %sub3A_11 : vector<64x64xf32>
    %reduce_sum3A = arith.constant dense<0.000000e+00> : vector<64xf32>
    %reduce_sum3A_12 = vector.multi_reduction <add>, %exp3A, %reduce_sum3A [1] : vector<64x64xf32> to vector<64xf32>
    %broadcast_in_dim3A_13 = vector.shape_cast %reduce_sum3A_12 : vector<64xf32> to vector<64x1xf32>
    %div3A = vector.broadcast %broadcast_in_dim3A_13 : vector<64x1xf32> to vector<64x64xf32>
    %div3A_14 = arith.divf %exp3A, %div3A : vector<64x64xf32>
    %iota3A = tpu.iota {dimensions = array<i32: 1>} : vector<64x64xi32>
    %reduce_max3A_15 = arith.constant dense<0xFF800000> : vector<64xf32>
    %reduce_max3A_16 = vector.multi_reduction <maximumf>, %div3A_14, %reduce_max3A_15 [1] : vector<64x64xf32> to vector<64xf32>
    %broadcast_in_dim3A_17 = vector.shape_cast %reduce_max3A_16 : vector<64xf32> to vector<64x1xf32>
    %eq3A = vector.broadcast %broadcast_in_dim3A_17 : vector<64x1xf32> to vector<64x64xf32>
    %eq3A_18 = arith.cmpf oeq, %div3A_14, %eq3A : vector<64x64xf32>
    %jit3A = arith.constant 1073741824 : i32
    %broadcast_in_dim3A_19 = vector.broadcast %jit3A : i32 to vector<64x64xi32>
    %select_n3A = arith.select %eq3A_18, %iota3A, %broadcast_in_dim3A_19 : vector<64x64xi1>, vector<64x64xi32>
    %reduce_min3A = arith.constant dense<2147483647> : vector<64xi32>
    %reduce_min3A_20 = vector.multi_reduction <minsi>, %select_n3A, %reduce_min3A [1] : vector<64x64xi32> to vector<64xi32>
    %broadcast_in_dim3A_21 = vector.shape_cast %reduce_min3A_20 : vector<64xi32> to vector<64x1xi32>
    %eq3A_22 = vector.broadcast %broadcast_in_dim3A_21 : vector<64x1xi32> to vector<64x64xi32>
    %eq3A_23 = arith.cmpi eq, %iota3A, %eq3A_22 : vector<64x64xi32>
    %jit3A_24 = arith.constant 0xFF800000 : f32
    %broadcast_in_dim3A_25 = vector.broadcast %jit3A_24 : f32 to vector<64x64xf32>
    %select_n3A_26 = arith.select %eq3A_23, %broadcast_in_dim3A_25, %div3A_14 : vector<64x64xi1>, vector<64x64xf32>
    %reduce_max3A_27 = arith.constant dense<0xFF800000> : vector<64xf32>
    %reduce_max3A_28 = vector.multi_reduction <maximumf>, %select_n3A_26, %reduce_max3A_27 [1] : vector<64x64xf32> to vector<64xf32>
    %broadcast_in_dim3A_29 = vector.shape_cast %reduce_max3A_28 : vector<64xf32> to vector<64x1xf32>
    %eq3A_30 = vector.broadcast %broadcast_in_dim3A_29 : vector<64x1xf32> to vector<64x64xf32>
    %eq3A_31 = arith.cmpf oeq, %select_n3A_26, %eq3A_30 : vector<64x64xf32>
    %jit3A_32 = arith.constant 1073741824 : i32
    %broadcast_in_dim3A_33 = vector.broadcast %jit3A_32 : i32 to vector<64x64xi32>
    %select_n3A_34 = arith.select %eq3A_31, %iota3A, %broadcast_in_dim3A_33 : vector<64x64xi1>, vector<64x64xi32>
    %reduce_min3A_35 = arith.constant dense<2147483647> : vector<64xi32>
    %reduce_min3A_36 = vector.multi_reduction <minsi>, %select_n3A_34, %reduce_min3A_35 [1] : vector<64x64xi32> to vector<64xi32>
    %broadcast_in_dim3A_37 = vector.shape_cast %reduce_min3A_36 : vector<64xi32> to vector<64x1xi32>
    %eq3A_38 = vector.broadcast %broadcast_in_dim3A_37 : vector<64x1xi32> to vector<64x64xi32>
    %eq3A_39 = arith.cmpi eq, %iota3A, %eq3A_38 : vector<64x64xi32>
    %jit3A_40 = arith.constant 0.000000e+00 : f32
    %broadcast_in_dim3A_41 = vector.shape_cast %broadcast_in_dim3A_17 : vector<64x1xf32> to vector<64x1xf32>
    %broadcast_in_dim3A_42 = vector.broadcast %broadcast_in_dim3A_41 : vector<64x1xf32> to vector<64x64xf32>
    %broadcast_in_dim3A_43 = vector.broadcast %jit3A_40 : f32 to vector<64x64xf32>
    %select_n3A_44 = arith.select %eq3A_23, %broadcast_in_dim3A_42, %broadcast_in_dim3A_43 : vector<64x64xi1>, vector<64x64xf32>
    %jit3A_45 = arith.constant 0.000000e+00 : f32
    %broadcast_in_dim3A_46 = vector.shape_cast %broadcast_in_dim3A_29 : vector<64x1xf32> to vector<64x1xf32>
    %broadcast_in_dim3A_47 = vector.broadcast %broadcast_in_dim3A_46 : vector<64x1xf32> to vector<64x64xf32>
    %broadcast_in_dim3A_48 = vector.broadcast %jit3A_45 : f32 to vector<64x64xf32>
    %select_n3A_49 = arith.select %eq3A_39, %broadcast_in_dim3A_47, %broadcast_in_dim3A_48 : vector<64x64xi1>, vector<64x64xf32>
    %add3A_50 = arith.addf %select_n3A_44, %select_n3A_49 : vector<64x64xf32>
    %add3A_51 = arith.addf %broadcast_in_dim3A_17, %broadcast_in_dim3A_29 : vector<64x1xf32>
    %div3A_52 = vector.broadcast %add3A_51 : vector<64x1xf32> to vector<64x64xf32>
    %div3A_53 = arith.divf %add3A_50, %div3A_52 : vector<64x64xf32>
    %swap3A = arith.constant 0 : index
    %swap3A_54 = arith.constant 0 : index
    %swap3A_55 = vector.load %arg3[%swap3A, %swap3A_54] : memref<64x64xf32, #tpu.memory_space<vmem>>, vector<64x64xf32>
    tpu.vector_store %arg3[%swap3A, %swap3A_54], %div3A_53 {strides = array<i32>} : memref<64x64xf32, #tpu.memory_space<vmem>>, vector<64x64xf32>,
    %gt3A = arith.constant 0.000000e+00 : f32
    %gt3A_56 = vector.broadcast %gt3A : f32 to vector<64x64xf32>
    %gt3A_57 = arith.cmpf ogt, %div3A_53, %gt3A_56 : vector<64x64xf32>
    %jit3A_58 = arith.constant 1.000000e+00 : f32
    %jit3A_59 = arith.constant 0.000000e+00 : f32
    %broadcast_in_dim3A_60 = vector.broadcast %jit3A_58 : f32 to vector<64x64xf32>
    %broadcast_in_dim3A_61 = vector.broadcast %jit3A_59 : f32 to vector<64x64xf32>
    %select_n3A_62 = arith.select %gt3A_57, %broadcast_in_dim3A_60, %broadcast_in_dim3A_61 : vector<64x64xi1>, vector<64x64xf32>
    %reduce_sum3A_63 = arith.constant dense<0.000000e+00> : vector<64xf32>
    %reduce_sum3A_64 = vector.multi_reduction <add>, %select_n3A_62, %reduce_sum3A_63 [0] : vector<64x64xf32> to vector<64xf32>
    %broadcast_in_dim3A_65 = vector.shape_cast %reduce_sum3A_64 : vector<64xf32> to vector<1x64xf32>
    %gt3A_66 = arith.constant 0.000000e+00 : f32
    %gt3A_67 = vector.broadcast %gt3A_66 : f32 to vector<1x64xf32>
    %gt3A_68 = arith.cmpf ogt, %broadcast_in_dim3A_65, %gt3A_67 : vector<1x64xf32>
    %convert_element_type3A = arith.extui %gt3A_68 : vector<1x64xi1> to vector<1x64xi32>
    %swap3A_69 = arith.constant 0 : index
    %swap3A_70 = arith.constant 0 : index
    %swap3A_71 = vector.load %arg4[%swap3A_69, %swap3A_70] : memref<1x64xi32, #tpu.memory_space<vmem>>, vector<1x64xi32>
    tpu.vector_store %arg4[%swap3A_69, %swap3A_70], %convert_element_type3A {strides = array<i32>} : memref<1x64xi32, #tpu.memory_space<vmem>>, vector<1x64xi32>,
    return
  }
}

</mosaic_0001>

<sc_bundles>
// kernel: kernel.6.cloned.1.call-start
scs
__scs_entry_jumppad:
0x0: {  	(pc) =	sbr.rel $0x88, $3  }
0x1: {  	(tag) =	ssettag $0x0;
	lr =	simm.s32 $0x1  }
0x2: {  	[smem:$0x3F98] =	sst lr;
	_ =	strace $0xD0000000  }
0x3: {  	_ = 	snop  }
0x4: {  	_ = 	snop  }
0x5: {  	_ = 	snop  }
0x6: {  	_ = 	snop  }
0x7: {  	_ = 	snop  }
__scs_overlays_trampoline_lowered:
0x8: {  	[smem:$0x3FA7] =	sst s0  }
0x9: {  	[smem:$0x3FA8] =	sst s1  }
0xa: {  	[smem:$0x3FA9] =	sst s2  }
0xb: {  	[smem:$0x3FAA] =	sst s3  }
0xc: {  	[smem:$0x3FAB] =	sst s4  }
0xd: {  	[smem:$0x3FAC] =	sst s5  }
0xe: {  	[smem:$0x3FAD] =	sst s6  }
0xf: {  	[smem:$0x3FAE] =	sst s7  }
0x10: {  	[smem:$0x3FAF] =	sst s8  }
0x11: {  	[smem:$0x3FB0] =	sst s9;
	s0 =	simm.s32 @!p0 $0x0  }
0x12: {  	s1 =	sld [smem:$0x3F96];
	s0 =	simm.s32 @p0 $0x1  }
0x13: {  	[smem:$0x3FB1] =	sst s0;
	s0 =	simm.s32 @!p1 $0x0  }
0x14: {  	s2 =	sld [smem:$0x3F95];
	s0 =	simm.s32 @p1 $0x1  }
0x15: {  	[smem:$0x3FB2] =	sst s0;
	s0 =	simm.s32 @!p2 $0x0  }
0x16: {  	s3 =	sld [smem:$0x3FDB];
	s0 =	simm.s32 @p2 $0x1  }
0x17: {  	s4 =	simm.s32 $0x1BF5;
	[smem:$0x3FB4] =	sst s0  }
0x18: {  	s0 =	sld [smem:$0x3F97];
	_ =	swait.ge [sflag:s4], $0x0  }
0x19: {  	s7 =	sld [smem:$0x3F98]  }
0x1a: {  	s8 =	sadd.s32 $0xFFFFE003, lr  }
0x1b: {  	s9 =	sadd.s32 $0xFFFFFEF7, lr;
	s5 =	simm.s32 $0xFFFFFFFF;
	p2 =	slt.u32 s8, $0xFFFFF086  }
0x1c: {  	p1 =	slt.u32 s9, $0xF7A;
	s5 =	simm.s32 @!p2 $0x0  }
0x1d: {  	s5 =	simm.s32 @p1 $0x1;
	p0 =	seq.s32 s7, s2  }
0x1e: {  	s7 =	smul.u32 @!p0 $0xF7A, s2;
	p2 =	seq.s32 @!p0 s5, $0x0  }
0x1f: {  	s9 =	smul.u32 $0xF7A, s1;
	s8 =	simm.s32 @!p0 $0x1BF5;
	p2 =	por !p2, p0  }
0x20: {  	[sflag:s8] =	ssyncset.s32 @!p0 $0xFFFFF086;
	s6 =	sadd.s32 @!p0 s3, s7;
	s7 =	simm.s32 @!p0 $0x108  }
0x21: {  	s3 =	sadd.s32 s3, s9;
	s6 =	sadd.s32 @!p0 $0x88, s6;
	s7 =	simm.s32 @p2 $0x1082  }
0x22: {  	[simem:s7], [sflag:s8] =	dma.local @!p0 [hbm:s6], $0xF7A  }
0x23: {  	s9 =	sor.u32 $0xD0000000, s2;
	s6 =	simm.s32 $0x108;
	_ =	swait.ge @!p0 [sflag:s8], $0x0  }
0x24: {  	s3 =	sadd.s32 $0x88, s3;
	s6 =	simm.s32 @!p1 $0x1082;
	[sflag:s4] =	ssyncset.s32 $0xFFFFF086  }
0x25: {  	[simem:s6], [sflag:s4] =	dma.local [hbm:s3], $0xF7A  }
0x26: {  	[smem:$0x3F98] =	sst s1;
	(tag) =	ssettag s2;
	_ =	strace s9  }
0x27: {  	s1 =	sld [smem:$0x3FA8]  }
0x28: {  	s2 =	sld [smem:$0x3FA9]  }
0x29: {  	s4 =	sld [smem:$0x3FAB]  }
0x2a: {  	p0 =	seq.s32 s5, $0x0;
	s5 =	sld [smem:$0x3FAC]  }
0x2b: {  	s6 =	sld [smem:$0x3FAD]  }
0x2c: {  	s7 =	sld [smem:$0x3FAE]  }
0x2d: {  	s3 =	simm.s32 $0x108;
	s8 =	sld [smem:$0x3FAF]  }
0x2e: {  	s3 =	simm.s32 @!p0 $0x1082;
	s9 =	sld [smem:$0x3FB0]  }
0x2f: {  	lr =	sadd.s32 s0, s3;
	s0 =	sld [smem:$0x3FA7]  }
0x30: {  	s3 =	sld [smem:$0x3FAA]  }
0x31: {  	[smem:$0x3FB3] =	sst s10  }
0x32: {  	s10 =	sld [smem:$0x3FB1];
	_ =	sdelay $0x3  }
0x33: {  	p0 =	seq.s32 s10, $0x1;
	s10 =	sld [smem:$0x3FB3];
	_ =	sdelay $0x3  }
0x34: {  	[smem:$0x3FB3] =	sst s10  }
0x35: {  	s10 =	sld [smem:$0x3FB2];
	_ =	sdelay $0x3  }
0x36: {  	p1 =	seq.s32 s10, $0x1;
	s10 =	sld [smem:$0x3FB3];
	_ =	sdelay $0x3  }
0x37: {  	[smem:$0x3FB3] =	sst s10  }
0x38: {  	s10 =	sld [smem:$0x3FB4]  }
0x39: {  	_ = 	snop;
	(pc) =	sbr.ind lr, $3  }
0x3a: {  	_ = 	snop  }
0x3b: {  	_ = 	snop  }
0x3c: {  	p2 =	seq.s32 s10, $0x1;
	s10 =	sld [smem:$0x3FB3]  }
0x3d: {  	_ =	shalt  }
0x3e: {  	_ =	shalt  }
0x3f: {  	_ =	shalt  }
0x40: {  	_ =	shalt  }
0x41: {  	_ =	shalt  }
0x42: {  	_ =	shalt  }
0x43: {  	_ =	shalt  }
0x44: {  	_ =	shalt  }
0x45: {  	_ =	shalt  }
0x46: {  	_ =	shalt  }
0x47: {  	_ =	shalt  }
0x48: {  	_ =	shalt  }
0x49: {  	_ =	shalt  }
0x4a: {  	_ =	shalt  }
0x4b: {  	_ =	shalt  }
0x4c: {  	_ =	shalt  }
0x4d: {  	_ =	shalt  }
0x4e: {  	_ =	shalt  }
0x4f: {  	_ =	shalt  }
0x50: {  	_ =	shalt  }
0x51: {  	_ =	shalt  }
0x52: {  	_ =	shalt  }
0x53: {  	_ =	shalt  }
0x54: {  	_ =	shalt  }
0x55: {  	_ =	shalt  }
0x56: {  	_ =	shalt  }
0x57: {  	_ =	shalt  }
0x58: {  	_ =	shalt  }
0x59: {  	_ =	shalt  }
0x5a: {  	_ =	shalt  }
0x5b: {  	_ =	shalt  }
0x5c: {  	_ =	shalt  }
0x5d: {  	_ =	shalt  }
0x5e: {  	_ =	shalt  }
0x5f: {  	_ =	shalt  }
0x60: {  	_ =	shalt  }
0x61: {  	_ =	shalt  }
0x62: {  	_ =	shalt  }
0x63: {  	_ =	shalt  }
0x64: {  	_ =	shalt  }
0x65: {  	_ =	shalt  }
0x66: {  	_ =	shalt  }
0x67: {  	_ =	shalt  }
0x68: {  	_ =	shalt  }
0x69: {  	_ =	shalt  }
0x6a: {  	_ =	shalt  }
0x6b: {  	_ =	shalt  }
0x6c: {  	_ =	shalt  }
0x6d: {  	_ =	shalt  }
0x6e: {  	_ =	shalt  }
0x6f: {  	_ =	shalt  }
0x70: {  	_ =	shalt  }
0x71: {  	_ =	shalt  }
0x72: {  	_ =	shalt  }
0x73: {  	_ =	shalt  }
0x74: {  	_ =	shalt  }
0x75: {  	_ =	shalt  }
0x76: {  	_ =	shalt  }
0x77: {  	_ =	shalt  }
0x78: {  	_ =	shalt  }
0x79: {  	_ =	shalt  }
0x7a: {  	_ =	shalt  }
0x7b: {  	_ =	shalt  }
0x7c: {  	_ =	shalt  }
0x7d: {  	_ =	shalt  }
0x7e: {  	_ =	shalt  }
0x7f: {  	_ =	shalt  }
0x80: {  	_ =	shalt  }
0x81: {  	_ =	shalt  }
0x82: {  	_ =	shalt  }
0x83: {  	_ =	shalt  }
0x84: {  	_ =	shalt  }
0x85: {  	_ =	shalt  }
0x86: {  	_ =	shalt  }
0x87: {  	_ =	shalt  }
.Lfunc_end0:
.L_simem_size_0:
called_computation_lowered:
.L_overlay_start_0:
0x88: {  	s2 =	sld [smem:$0x3FD9]  }
0x89: {  	s3 =	sld [smem:$0x3FFE];
	_ =	sdelay $0x1  }
0x8a: {  	s1 =	srdreg.scid  }
0x8b: {  	s0 =	sand.u32 $0x1, s1  }
0x8c: {  	s17 =	sshll.u32 s0, $0xA;
	s2 =	sadd.s32 s3, s2  }
0x8d: {  	s2 =	sadd.s32 s2, s17  }
0x8e: {  	[smem:$0x3FBF] =	sst s2  }
0x8f: {  	_ = 	snop  }
0x90: {  	s2 =	sld [smem:$0x3FD0];
	(tm) =	ssettm $0x1  }
0x91: {  	s18 =	sld [smem:$0x3FFB];
	_ =	sdelay $0x3  }
0x92: {  	_ =	strace s18  }
0x93: {  	s3 =	sld [smem:$0x3FFC];
	_ =	sdelay $0x3  }
0x94: {  	_ =	strace s3  }
0x95: {  	s3 =	sld [smem:$0x3FFD];
	_ =	sdelay $0x3  }
0x96: {  	_ =	strace s3  }
0x97: {  	_ =	strace $0x8FFFFFFF  }
0x98: {  	s19 =	sld [smem:$0x3FDB];
	_ =	sdelay $0x1  }
0x99: {  	s4 =	simm.s32 $_scs_section_size  }
0x9a: {  	s5 =	simm.s32 $_size__tile_overlayer_lowered;
	s6 =	simm.s32 $_tile_overlayer_lowered  }
0x9b: {  	s22 =	simm.s32 $0x1BFF;
	s21 =	sshll.u32 s6, $0x1;
	s3 =	sadd.s32 s4, s19  }
0x9c: {  	s7 =	simm.s32 $0x0;
	s20 =	sshll.u32 s5, $0x1;
	s5 =	sadd.s32 s21, s3  }
0x9d: {  	[timem:s7], [sflag:s22] =	dma.local [hbm:s5], s20  }
0x9e: {  	_ =	swait.ge [sflag:s22], s20  }
0x9f: {  	s4 =	ssub.s32 $0x0, s20;
	[sflag:s22] =	ssyncset.done $0x0  }
0xa0: {  	[sflag:s22] =	ssyncadd.s32 s4;
	_ =	sdelay $0x1  }
0xa1: {  	s23 =	simm.s32 $0x1B8B  }
0xa2: {  	_ =	swait.ge [sflag:s23], $0x1  }
0xa3: {  	[sflag:s23] =	ssyncset.done $0x0  }
0xa4: {  	s25 =	simm.s32 $0x1B8E;
	s24 =	sld [smem:$0x3FFE];
	[sflag:s23] =	ssyncadd.s32 $0xFFFFFFFF  }
0xa5: {  	s26 =	simm.s32 $execute0_lowered;
	[smem:$0x3FD2] =	sst s25  }
0xa6: {  	s5 =	sshll.u32 s26, $0x1;
	_ =	strace $0x80000046;
	[dreg:$0x1] =	wrdreg $0xFFFFFFFF  }
0xa7: {  	s28 =	simm.s32 $_size_execute0_lowered;
	s3 =	sadd.s32 s3, s5;
	[dreg:$0x0] =	wrdreg $0x0  }
0xa8: {  	s5 =	sshll.u32 s28, $0x1;
	[dreg:$0x2] =	wrdreg s3  }
0xa9: {  	[dreg:$0x3] =	wrdreg s5  }
0xaa: {  	[dreg:$0x4] =	wrdreg $0xC0  }
0xab: {  	_ =	task [dreg:s7], $0x5FFFF  }
0xac: {  	[dreg:$0x1] =	wrdreg $0xFFFFFFFF  }
0xad: {  	[dreg:$0x0] =	wrdreg $0x60  }
0xae: {  	[dreg:$0x2] =	wrdreg s2  }
0xaf: {  	[dreg:$0x3] =	wrdreg s24  }
0xb0: {  	[dreg:$0x4] =	wrdreg $0x9  }
0xb1: {  	_ =	task.clear_ibuf [dreg:s7], $0x5FFFF;
	_ =	strace $0x90000046  }
0xb2: {  	s29 =	simm.s32 $0x9;
	_ =	strace $0x80000048  }
0xb3: {  	_ =	swait.ge [sflag:s29], $0x1  }
0xb4: {  	[sflag:s29] =	ssyncadd.s32 $0xFFFFFFFF  }
0xb5: {  	_ =	strace $0x90000048  }
0xb6: {  	_ =	sfence  }
0xb7: {  	s30 =	sld [smem:$0x0];
	_ =	sdelay $0x2  }
0xb8: {  	s31 =	sshll.u32 s1, $0xD;
	s1 =	sshrl.u32 s1, $0x2  }
0xb9: {  	s3 =	sand.u32 $0x4000, s31;
	s1 =	sadd.s32 s1, s30  }
0xba: {  	s0 =	sor.u32 s3, s0;
	s1 =	sshll.u32 s1, $0x11  }
0xbb: {  	s0 =	sor.u32 s1, s0  }
0xbc: {  	s0 =	sadd.s32 $0x8F2B, s0  }
0xbd: {  	[sflag:s0] =	ssyncadd.remote.s32 $0x1  }
0xbe: {  	_ =	sfence.sel $0xFFFF  }
0xbf: {  	[dreg:$0x0] =	wrdreg $0xFFFFFFFF;
	(pc) =	sbr.abs _section_cstart, $3  }
0xc0: {  	[dreg:$0x1] =	wrdreg $0xFFFFFFFF  }
0xc1: {  	_ =	task.clear_ibuf [dreg:s7], $0x2FFFF;
	_ =	strace $0x9FFFFFFF  }
0xc2: {  	(tm) =	ssettm $0x7FFFFFFF  }
0xc3: {  	_ =	shalt  }
tec
execute0_lowered:
.L_overlay_start_1:
0x0: {  	(tag) =	ssettag $0x1  }
0x1: {  	s0 =	srdreg.scid  }
0x2: {  	s4 =	sand.u32 $0x1, s0;
	s0 =	stileid.u32  }
0x3: {  	s5 =	sshll.u32 s0, $0x1;
	s6 =	ssub.s32 $0x0, s4  }
0x4: {  	p0 =	sne.s32 s5, s6  }
.Ltmp0:
0x5: {  	_ = 	snop;
	(pc) =	sbr.rel @p0 .LBB2_5-.Ltmp0, $4  }
0x6: {  	_ = 	snop  }
0x7: {  	s2 =	rddreg [dreg:$0x0]  }
0x8: {  	s3 =	rddreg [dreg:$0x1]  }
0x9: {  	s1 =	rddreg [dreg:$0x2];
	_ =	strace $0x80000047  }
0xa: {  	s4 =	ssub.s32 $0x2, s4  }
0xb: {  	s3 =	sadd.s32 $0x1400, s3;
	s5 =	sshrl.u32 s4, $0x1  }
0xc: {  	s6 =	simm.s32 $0x1;
	s7 =	simm.s32 $0x80;
	s4 =	ssub.s32 s4, s5  }
0xd: {  	s8 =	simm.s32 $0x0;
	s5 =	simm.s32 $0x0;
	s4 =	smax.u32 s4, $0x1  }
.LBB2_2:
0xe: {  	[tilespmem:s5], [sflag:$0x1] =	stream.linear.gather [hbm4b:s2+s5], $0x40, $0x38;
	[tilespmem:$0x100] =	vst v63  }
0xf: {  	_ =	swait.ge [sflag:s6], $0x40  }
0x10: {  	[sflag:s6] =	ssyncset.done $0x0  }
0x11: {  	s11 =	simm.s32 $0x1;
	[sflag:s6] =	ssyncadd.s32 $0xFFFFFFC0  }
0x12: {  	s9 =	simm.s32 $0x0;
	s10 =	simm.s32 $0x0;
	s12 =	simm.s32 $0x0;
	v0 =	vld [tilespmem:s5+$0x0]  }
.LBB2_3:
0x13: {  	p0 =	sne.s32 s11, $0x3F;
	_ =	sdelay $0x3  }
0x14: {  	(v2sf) =	vpush v0, $0x0;
	_ =	sdelay $0xe  }
.Ltmp1:
0x15: {  	s13 =	spop (v2sf);
	(pc) =	sbr.rel @p0 .LBB2_3-.Ltmp1, $4  }
0x16: {  	s14 =	simm.s32 $0x1;
	p1 =	sgt.s32 s13, $0x0;
	s13 =	smov.u32 s9  }
0x17: {  	v0 =	vmov s10;
	s10 =	smov.u32 s11;
	s13 =	simm.s32 @!p1 $0x60;
	s14 =	simm.s32 @!p1 $0x0  }
0x18: {  	s12 =	sadd.s32 $0x1, s12;
	[tilespmem:s13+$0x80] =	vst v0;
	s9 =	sadd.s32 s14, s9  }
0x19: {  	s11 =	sadd.s32 $0x1, s11;
	v0 =	vld [tilespmem:s12+$0x0]  }
0x1a: {  	_ =	sdelay $0x3  }
0x1b: {  	(v2sf) =	vpush v0, $0x0;
	_ =	sdelay $0xe  }
0x1c: {  	s11 =	spop (v2sf)  }
0x1d: {  	p0 =	sgt.s32 s11, $0x0;
	s11 =	simm.s32 $0x1  }
0x1e: {  	s12 =	smov.u32 s9;
	s11 =	simm.s32 @!p0 $0x0  }
0x1f: {  	v62 =	vmov s10;
	s8 =	sadd.s32 $0x1, s8;
	s12 =	simm.s32 @!p0 $0x60;
	s31 =	sadd.s32 s11, s9  }
0x20: {  	p0 =	sne.s32 s8, s4;
	[tilespmem:s12+$0x80] =	vst v62;
	v63 =	vmov s31  }
.Ltmp2:
0x21: {  	[tilespmem:$0xC0] =	vst v63;
	(pc) =	sbr.rel @p0 .LBB2_2-.Ltmp2, $4  }
0x22: {  	[hbm4b:s3+s5] =	stream.linear.scatter [tilespmem:s7], [sflag:$0x1], $0x50, $0x38;
	[tilespmem:$0x100] =	vst v63  }
0x23: {  	_ =	swait.ge [sflag:s6], $0x50  }
0x24: {  	[sflag:s6] =	ssyncset.done $0x0  }
0x25: {  	[sflag:s6] =	ssyncadd.s32 $0xFFFFFFB0  }
.LBB2_5:
0x26: {  	_ =	sfence.sel $0x180000  }
0x27: {  	[bflag:$0x0] =	sbarrier.arrive $0xFFFF  }
0x28: {  	p0 =	sne.s32 s0, $0x0;
	_ =	strace $0x90000047  }
0x29: {  	s0 =	sadd.s32 @!p0 $0x100000, s1;
	[bflag:$0x2] =	sbarrier.arrive $0xFFFF  }
0x2a: {  	[sflag:s0] =	ssyncadd.tile.s32 @!p0 $0x1;
	_ =	shalt  }
.Lfunc_end2:
_tile_overlayer_lowered:
.L_overlay_start_2:
0x2b: {  	(tag) =	ssettag $0x2  }
0x2c: {  	s0 =	rddreg [dreg:$0x0];
	s2 =	stileid.u32  }
0x2d: {  	s1 =	rddreg [dreg:$0x1];
	p0 =	sne.s32 s2, $0x0  }
0x2e: {  	s3 =	rddreg [dreg:$0x2];
	[bflag:$0x3] =	sbarrier.arrive $0xFFFF;
	s2 =	simm.s32 @!p0 $0x1C01  }
0x2f: {  	[timem:s3], [sflag:s2] =	dma.local @!p0 [hbm:s0], s1  }
0x30: {  	s0 =	simm.s32 @!p0 $0x1  }
0x31: {  	_ =	swait.ge @!p0 [sflag:s0], s1  }
0x32: {  	s1 =	ssub.s32 @!p0 $0x0, s1;
	[sflag:s0] =	ssyncset.done @!p0 $0x0  }
0x33: {  	[sflag:s0] =	ssyncadd.s32 @!p0 s1  }
0x34: {  	[bflag:$0x3] =	sbarrier.arrive $0xFFFF  }
0x35: {  	_ =	shalt  }

</sc_bundles>
